<compile_context>
chip_gen: v7x
topology: tpu7x:2x2x1
jax: 0.10.2.dev20260603
libtpu: 0.0.44.dev20260713+nightly
codegen_flags: <defaults>
</compile_context>

<pallas_src>
import functools

import jax
import jax.numpy as jnp
from jax.experimental import pallas as pl

D_MODEL = 64
T2V_IN = 4
T2V_DIM = 16
HIDDEN = 32
TN = 4096


def _fast_sin(x):
    f32 = jnp.float32
    n = jnp.floor(x * f32(0.15915494309189535) + f32(0.5))
    r = x - n * f32(6.283185307179586)
    r2 = r * r
    p = f32(-1.51639979e-04)
    p = p * r2 + f32(8.07014720e-03)
    p = p * r2 + f32(-1.66209727e-01)
    p = p * r2 + f32(9.99919463e-01)
    return r * p


def _body(yb, xb, poswb_ref, s3w, evnt_pad, id_pad,
          m1, b1c, w2c, b2s, out_ref):
    f32 = jnp.float32
    y = yb[...]
    x3 = xb[...]
    tok = y.shape[0]

    aff = jnp.dot(x3, s3w[...], preferred_element_type=f32) + poswb_ref[...]
    ch = jax.lax.broadcasted_iota(jnp.int32, (tok, D_MODEL), 1)
    t2v = jnp.where(ch % T2V_DIM == 0, aff, _fast_sin(aff))

    bf16 = jnp.bfloat16
    yidx = jnp.floor(y[:, 4:7]).astype(bf16)
    lane128 = jax.lax.broadcasted_iota(jnp.int32, (tok, 128), 1).astype(bf16)
    one = jnp.ones((), bf16)
    zero = jnp.zeros((), bf16)
    cnt_evt = (jnp.where(yidx[:, 0:1] == lane128, one, zero)
               + jnp.where(yidx[:, 2:3] == lane128, one, zero))
    oh_id = jnp.where(yidx[:, 1:2] == lane128, one, zero)
    evt_emb = jnp.dot(cnt_evt, evnt_pad[...], preferred_element_type=f32)
    id_emb = jnp.dot(oh_id, id_pad[...], preferred_element_type=f32)

    h = jax.nn.relu(jnp.dot(y[:, 0:5], m1[...], preferred_element_type=f32)
                    + b1c[...])
    tv = jnp.dot(h, w2c[...], preferred_element_type=f32) + b2s[...]

    out_ref[...] = t2v + evt_emb + id_emb + tv


def kernel(y, x, t2v_w, t2v_b, evnt_table, id_table,
           ffn0_w1, ffn0_b1, ffn0_w2, ffn0_b2,
           ffn1_w1, ffn1_b1, ffn1_w2, ffn1_b2,
           ffn2_w1, ffn2_b1, ffn2_w2, ffn2_b2,
           ffn3_w1, ffn3_b1, ffn3_w2, ffn3_b2):
    bs, L, _ = y.shape
    f32 = jnp.float32

    wflat = t2v_w.reshape(D_MODEL)
    bflat = t2v_b.reshape(D_MODEL)
    ch = jnp.arange(D_MODEL)
    grp = ch // T2V_DIM
    s3w = jnp.where(grp[None, :] == jnp.arange(3)[:, None], wflat[None, :], 0.0)
    pos = (jnp.arange(L, dtype=f32) / L)[:, None]
    poswb = jnp.where(grp[None, :] == 3, pos * wflat[None, :], 0.0) + bflat[None, :]

    evnt_pad = jnp.pad(evnt_table, ((0, 128 - evnt_table.shape[0]), (0, 0))).astype(jnp.bfloat16)
    id_pad = jnp.pad(id_table, ((0, 128 - id_table.shape[0]), (0, 0))).astype(jnp.bfloat16)

    w1s = [ffn0_w1, ffn1_w1, ffn2_w1, ffn3_w1]
    w1a = jnp.concatenate([w[0] for w in w1s])
    w1b = jnp.concatenate([w[1] for w in w1s])
    hgrp = jnp.arange(4 * HIDDEN) // HIDDEN
    m1 = jnp.concatenate(
        [jnp.where(hgrp[None, :] == jnp.arange(4)[:, None], w1b[None, :], 0.0),
         w1a[None, :]], axis=0)
    b1c = jnp.concatenate([ffn0_b1, ffn1_b1, ffn2_b1, ffn3_b1]).reshape(1, 4 * HIDDEN)
    w2c = jnp.concatenate([ffn0_w2, ffn1_w2, ffn2_w2, ffn3_w2], axis=0)
    b2s = (ffn0_b2 + ffn1_b2 + ffn2_b2 + ffn3_b2).reshape(1, D_MODEL)

    N = bs * L
    nlb = L // TN
    y2 = y.reshape(N, 7)
    x2 = x.reshape(N, 3)
    full = lambda shape: pl.BlockSpec(shape, lambda g: (0, 0))
    emb = pl.pallas_call(
        _body,
        grid=(N // TN,),
        in_specs=[
            pl.BlockSpec((TN, 7), lambda g: (g, 0)),
            pl.BlockSpec((TN, 3), lambda g: (g, 0)),
            pl.BlockSpec((TN, D_MODEL), lambda g: (g % nlb, 0)),
            full((3, D_MODEL)),
            full((128, D_MODEL)), full((128, D_MODEL)),
            full((5, 4 * HIDDEN)), full((1, 4 * HIDDEN)),
            full((128, D_MODEL)), full((1, D_MODEL)),
        ],
        out_specs=pl.BlockSpec((TN, D_MODEL), lambda g: (g, 0)),
        out_shape=jax.ShapeDtypeStruct((N, D_MODEL), f32),
    )(y2, x2, poswb, s3w, evnt_pad, id_pad, m1, b1c, w2c, b2s)

    emb = emb.reshape(bs, L, D_MODEL)
    return (emb, jnp.zeros_like(emb))

# --- scband reference (transcript-rebuilt; emitter-appended) ---
"""Pipeline reference for scband-spacetimeformer-embedding-15710990368963 (READ-ONLY COPY).

The authoritative reference and input builder live on the scoring server;
editing this copy changes nothing except your own understanding.
"""

import jax, jax.numpy as jnp
import numpy as np

D_MODEL = 64
D_X = 3
T2V_IN = D_X + 1  # x is concatenated with local_pos before Time2Vec
T2V_DIM = D_MODEL // T2V_IN
HIDDEN = -(-D_MODEL // 2)  # ceil(d_model/2)


def _time2vec(x, w, b):
    # torch.diag_embed(x) @ w + b  ==  x[..., None] * w + b (row-wise scaling)
    aff = x[..., None] * w + b  # (bs, L, T2V_IN, T2V_DIM)
    a0 = aff[..., :1]
    rest = jnp.sin(aff[..., 1:])
    out = jnp.concatenate([a0, rest], axis=-1)
    return out.reshape(out.shape[0], out.shape[1], -1)  # (bs, L, D_MODEL)


def _ffn(x, w1, b1, w2, b2):
    h = jax.nn.relu(jnp.matmul(x, w1) + b1)
    return jnp.matmul(h, w2) + b2


def setup_inputs(seed: int = 0):
    key = jax.random.key(seed)
    ks = jax.random.split(key, 32)
    bs, L = 64, 4096
    inp = {}
    inp['y'] = jax.random.uniform(ks[0], (bs, L, 7), dtype=jnp.float32)
    inp['x'] = jax.random.uniform(ks[1], (bs, L, D_X), dtype=jnp.float32)
    inp['t2v_w'] = jax.random.normal(ks[2], (T2V_IN, T2V_DIM), dtype=jnp.float32)
    inp['t2v_b'] = jax.random.normal(ks[3], (T2V_IN, T2V_DIM), dtype=jnp.float32)
    inp['evnt_table'] = jax.random.normal(ks[4], (54, D_MODEL), dtype=jnp.float32)
    inp['id_table'] = jax.random.normal(ks[5], (75, D_MODEL), dtype=jnp.float32)
    k = 6
    for i in range(4):
        inp['ffn%d_w1' % i] = jax.random.normal(ks[k], (2, HIDDEN), dtype=jnp.float32) * 0.1; k += 1
        inp['ffn%d_b1' % i] = jnp.zeros((HIDDEN,), dtype=jnp.float32)
        inp['ffn%d_w2' % i] = jax.random.normal(ks[k], (HIDDEN, D_MODEL), dtype=jnp.float32) * 0.1; k += 1
        inp['ffn%d_b2' % i] = jnp.zeros((D_MODEL,), dtype=jnp.float32)
    return inp


def reference(y, x, t2v_w, t2v_b, evnt_table, id_table,
              ffn0_w1, ffn0_b1, ffn0_w2, ffn0_b2,
              ffn1_w1, ffn1_b1, ffn1_w2, ffn1_b2,
              ffn2_w1, ffn2_b1, ffn2_w2, ffn2_b2,
              ffn3_w1, ffn3_b1, ffn3_w2, ffn3_b2):
    bs, L, _ = y.shape
    local_pos = jnp.broadcast_to((jnp.arange(L, dtype=jnp.float32) / L).reshape(1, L, 1), (bs, L, 1))
    xx = jnp.concatenate([x, local_pos], axis=-1)
    t2v_emb = _time2vec(xx, t2v_w, t2v_b)
    val0 = y[..., 0:1]; val1 = y[..., 1:2]; val2 = y[..., 2:3]; val3 = y[..., 3:4]
    src = y[..., 4:5]; idc = y[..., 5:6]; evt = y[..., 6:7]
    id_idx = idc.astype(jnp.int32)  # (bs, L, 1)
    id_emb = jnp.sum(jnp.take(id_table, id_idx, axis=0), axis=-2)  # (bs, L, D)
    type_evt = jnp.concatenate([src, evt], axis=-1).astype(jnp.int32)  # (bs, L, 2)
    evt_emb = jnp.sum(jnp.take(evnt_table, type_evt, axis=0), axis=-2)
    tv0 = _ffn(jnp.concatenate([src, val0], axis=-1), ffn0_w1, ffn0_b1, ffn0_w2, ffn0_b2)
    tv1 = _ffn(jnp.concatenate([src, val1], axis=-1), ffn1_w1, ffn1_b1, ffn1_w2, ffn1_b2)
    tv2 = _ffn(jnp.concatenate([src, val2], axis=-1), ffn2_w1, ffn2_b1, ffn2_w2, ffn2_b2)
    tv3 = _ffn(jnp.concatenate([src, val3], axis=-1), ffn3_w1, ffn3_b1, ffn3_w2, ffn3_b2)
    emb = t2v_emb + evt_emb + id_emb + tv0 + tv1 + tv2 + tv3
    return (emb, jnp.zeros_like(emb))

if __name__ == "__main__":
    import jax
    _d = setup_inputs()
    print(jax.jit(kernel)(*tuple(_d.values())))

</pallas_src>

<mosaic_0001>
module attributes {stable_mosaic.version = 14 : i64} {
  func.func @_body(%arg0: i32, %arg1: memref<4096x7xf32, #tpu.memory_space<vmem>>, %arg2: memref<4096x3xf32, #tpu.memory_space<vmem>>, %arg3: memref<4096x64xf32, #tpu.memory_space<vmem>>, %arg4: memref<3x64xf32, #tpu.memory_space<vmem>>, %arg5: memref<128x64xbf16, #tpu.memory_space<vmem>>, %arg6: memref<128x64xbf16, #tpu.memory_space<vmem>>, %arg7: memref<5x128xf32, #tpu.memory_space<vmem>>, %arg8: memref<1x128xf32, #tpu.memory_space<vmem>>, %arg9: memref<128x64xf32, #tpu.memory_space<vmem>>, %arg10: memref<1x64xf32, #tpu.memory_space<vmem>>, %arg11: memref<4096x64xf32, #tpu.memory_space<vmem>>) attributes {dimension_semantics = [#tpu.dimension_semantics<arbitrary>], iteration_bounds = array<i64: 64>, scalar_prefetch = 0 : i64, scratch_operands = 0 : i64, tpu.core_type = #tpu.core_type<tc>, window_params = [{transform_indices = @transform_0, window_bounds = array<i64: 4096, 7>}, {transform_indices = @transform_1, window_bounds = array<i64: 4096, 3>}, {transform_indices = @transform_2, window_bounds = array<i64: 4096, 64>}, {pipeline_mode = #tpu.pipeline_mode<synchronous>, transform_indices = @transform_3, window_bounds = array<i64: 3, 64>}, {pipeline_mode = #tpu.pipeline_mode<synchronous>, transform_indices = @transform_4, window_bounds = array<i64: 128, 64>}, {pipeline_mode = #tpu.pipeline_mode<synchronous>, transform_indices = @transform_5, window_bounds = array<i64: 128, 64>}, {pipeline_mode = #tpu.pipeline_mode<synchronous>, transform_indices = @transform_6, window_bounds = array<i64: 5, 128>}, {pipeline_mode = #tpu.pipeline_mode<synchronous>, transform_indices = @transform_7, window_bounds = array<i64: 1, 128>}, {pipeline_mode = #tpu.pipeline_mode<synchronous>, transform_indices = @transform_8, window_bounds = array<i64: 128, 64>}, {pipeline_mode = #tpu.pipeline_mode<synchronous>, transform_indices = @transform_9, window_bounds = array<i64: 1, 64>}, {transform_indices = @transform_10, window_bounds = array<i64: 4096, 64>}]} {
    %get3A = arith.constant 0 : index
    %get3A_0 = arith.constant 0 : index
    %get3A_1 = vector.load %arg1[%get3A, %get3A_0] : memref<4096x7xf32, #tpu.memory_space<vmem>>, vector<4096x7xf32>
    %get3A_2 = arith.constant 0 : index
    %get3A_3 = arith.constant 0 : index
    %get3A_4 = vector.load %arg2[%get3A_2, %get3A_3] : memref<4096x3xf32, #tpu.memory_space<vmem>>, vector<4096x3xf32>
    %get3A_5 = arith.constant 0 : index
    %get3A_6 = arith.constant 0 : index
    %get3A_7 = vector.load %arg4[%get3A_5, %get3A_6] : memref<3x64xf32, #tpu.memory_space<vmem>>, vector<3x64xf32>
    %dot_general3A = arith.constant dense<0.000000e+00> : vector<4096x64xf32>
    %dot_general3A_8 = tpu.matmul %get3A_4, %get3A_7, %dot_general3A {dimension_numbers = #tpu.dot_dimension_numbers<[1], [0], [0], [1], [0, 0, 1, 1], [], []>, transpose_lhs_hint = false} : vector<4096x3xf32>, vector<3x64xf32>, vector<4096x64xf32> -> vector<4096x64xf32>
    %get3A_9 = arith.constant 0 : index
    %get3A_10 = arith.constant 0 : index
    %get3A_11 = vector.load %arg3[%get3A_9, %get3A_10] : memref<4096x64xf32, #tpu.memory_space<vmem>>, vector<4096x64xf32>
    %add3A = arith.addf %dot_general3A_8, %get3A_11 : vector<4096x64xf32>
    %iota3A = tpu.iota {dimensions = array<i32: 1>} : vector<4096x64xi32>
    %jit3A = arith.constant 16 : i32
    %eq3A = arith.constant 0 : i32
    %eq3A_12 = arith.cmpi eq, %jit3A, %eq3A : i32
    %jit3A_13 = arith.constant 1 : i32
    %select_n3A = arith.select %eq3A_12, %jit3A_13, %jit3A : i32
    %rem3A = vector.broadcast %select_n3A : i32 to vector<4096x64xi32>
    %rem3A_14 = arith.remsi %iota3A, %rem3A : vector<4096x64xi32>
    %ne3A = arith.constant 0 : i32
    %ne3A_15 = vector.broadcast %ne3A : i32 to vector<4096x64xi32>
    %ne3A_16 = arith.cmpi ne, %rem3A_14, %ne3A_15 : vector<4096x64xi32>
    %lt3A = arith.constant 0 : i32
    %lt3A_17 = vector.broadcast %lt3A : i32 to vector<4096x64xi32>
    %lt3A_18 = arith.cmpi slt, %rem3A_14, %lt3A_17 : vector<4096x64xi32>
    %lt3A_19 = arith.constant 0 : i32
    %lt3A_20 = arith.cmpi slt, %select_n3A, %lt3A_19 : i32
    %ne3A_21 = vector.broadcast %lt3A_20 : i1 to vector<4096x64xi1>
    %ne3A_22 = vector.broadcast %ne3A_21 : vector<4096x64xi1> to vector<4096x64xi1>
    %ne3A_23 = arith.xori %lt3A_18, %ne3A_22 : vector<4096x64xi1>
    %and3A = arith.andi %ne3A_23, %ne3A_16 : vector<4096x64xi1>
    %add3A_24 = vector.broadcast %select_n3A : i32 to vector<4096x64xi32>
    %add3A_25 = arith.addi %rem3A_14, %add3A_24 : vector<4096x64xi32>
    %select_n3A_26 = arith.select %and3A, %add3A_25, %rem3A_14 : vector<4096x64xi1>, vector<4096x64xi32>
    %eq3A_27 = arith.constant 0 : i32
    %eq3A_28 = vector.broadcast %eq3A_27 : i32 to vector<4096x64xi32>
    %eq3A_29 = arith.cmpi eq, %select_n3A_26, %eq3A_28 : vector<4096x64xi32>
    %mul3A = arith.constant 0.159154937 : f32
    %mul3A_30 = vector.broadcast %mul3A : f32 to vector<4096x64xf32>
    %mul3A_31 = arith.mulf %add3A, %mul3A_30 : vector<4096x64xf32>
    %add3A_32 = arith.constant 5.000000e-01 : f32
    %add3A_33 = vector.broadcast %add3A_32 : f32 to vector<4096x64xf32>
    %add3A_34 = arith.addf %mul3A_31, %add3A_33 : vector<4096x64xf32>
    %floor3A = math.floor %add3A_34 : vector<4096x64xf32>
    %mul3A_35 = arith.constant 6.28318548 : f32
    %mul3A_36 = vector.broadcast %mul3A_35 : f32 to vector<4096x64xf32>
    %mul3A_37 = arith.mulf %floor3A, %mul3A_36 : vector<4096x64xf32>
    %sub3A = arith.subf %add3A, %mul3A_37 : vector<4096x64xf32>
    %mul3A_38 = arith.mulf %sub3A, %sub3A : vector<4096x64xf32>
    %mul3A_39 = arith.constant -1.51639979E-4 : f32
    %mul3A_40 = vector.broadcast %mul3A_39 : f32 to vector<4096x64xf32>
    %mul3A_41 = arith.mulf %mul3A_40, %mul3A_38 : vector<4096x64xf32>
    %add3A_42 = arith.constant 0.0080701476 : f32
    %add3A_43 = vector.broadcast %add3A_42 : f32 to vector<4096x64xf32>
    %add3A_44 = arith.addf %mul3A_41, %add3A_43 : vector<4096x64xf32>
    %mul3A_45 = arith.mulf %add3A_44, %mul3A_38 : vector<4096x64xf32>
    %add3A_46 = arith.constant -0.166209728 : f32
    %add3A_47 = vector.broadcast %add3A_46 : f32 to vector<4096x64xf32>
    %add3A_48 = arith.addf %mul3A_45, %add3A_47 : vector<4096x64xf32>
    %mul3A_49 = arith.mulf %add3A_48, %mul3A_38 : vector<4096x64xf32>
    %add3A_50 = arith.constant 0.999919474 : f32
    %add3A_51 = vector.broadcast %add3A_50 : f32 to vector<4096x64xf32>
    %add3A_52 = arith.addf %mul3A_49, %add3A_51 : vector<4096x64xf32>
    %mul3A_53 = arith.mulf %sub3A, %add3A_52 : vector<4096x64xf32>
    %select_n3A_54 = arith.select %eq3A_29, %add3A, %mul3A_53 : vector<4096x64xi1>, vector<4096x64xf32>
    %slice3A = vector.extract_strided_slice %get3A_1 {offsets = [0, 4], sizes = [4096, 3], strides = [1, 1]} : vector<4096x7xf32> to vector<4096x3xf32>
    %floor3A_55 = math.floor %slice3A : vector<4096x3xf32>
    %convert_element_type3A = arith.truncf %floor3A_55 : vector<4096x3xf32> to vector<4096x3xbf16>
    %iota3A_56 = tpu.iota {dimensions = array<i32: 1>} : vector<4096x128xi32>
    %convert_element_type3A_57 = arith.sitofp %iota3A_56 : vector<4096x128xi32> to vector<4096x128xbf16>
    %slice3A_58 = vector.extract_strided_slice %convert_element_type3A {offsets = [0, 0], sizes = [4096, 1], strides = [1, 1]} : vector<4096x3xbf16> to vector<4096x1xbf16>
    %eq3A_59 = vector.broadcast %slice3A_58 : vector<4096x1xbf16> to vector<4096x128xbf16>
    %eq3A_60 = arith.cmpf oeq, %eq3A_59, %convert_element_type3A_57 : vector<4096x128xbf16>
    %jit3A_61 = arith.constant 1.000000e+00 : bf16
    %jit3A_62 = arith.constant 0.000000e+00 : bf16
    %broadcast_in_dim3A = vector.broadcast %jit3A_61 : bf16 to vector<4096x128xbf16>
    %broadcast_in_dim3A_63 = vector.broadcast %jit3A_62 : bf16 to vector<4096x128xbf16>
    %select_n3A_64 = arith.select %eq3A_60, %broadcast_in_dim3A, %broadcast_in_dim3A_63 : vector<4096x128xi1>, vector<4096x128xbf16>
    %slice3A_65 = vector.extract_strided_slice %convert_element_type3A {offsets = [0, 2], sizes = [4096, 1], strides = [1, 1]} : vector<4096x3xbf16> to vector<4096x1xbf16>
    %eq3A_66 = vector.broadcast %slice3A_65 : vector<4096x1xbf16> to vector<4096x128xbf16>
    %eq3A_67 = arith.cmpf oeq, %eq3A_66, %convert_element_type3A_57 : vector<4096x128xbf16>
    %jit3A_68 = arith.constant 1.000000e+00 : bf16
    %jit3A_69 = arith.constant 0.000000e+00 : bf16
    %broadcast_in_dim3A_70 = vector.broadcast %jit3A_68 : bf16 to vector<4096x128xbf16>
    %broadcast_in_dim3A_71 = vector.broadcast %jit3A_69 : bf16 to vector<4096x128xbf16>
    %select_n3A_72 = arith.select %eq3A_67, %broadcast_in_dim3A_70, %broadcast_in_dim3A_71 : vector<4096x128xi1>, vector<4096x128xbf16>
    %add3A_73 = arith.addf %select_n3A_64, %select_n3A_72 : vector<4096x128xbf16>
    %slice3A_74 = vector.extract_strided_slice %convert_element_type3A {offsets = [0, 1], sizes = [4096, 1], strides = [1, 1]} : vector<4096x3xbf16> to vector<4096x1xbf16>
    %eq3A_75 = vector.broadcast %slice3A_74 : vector<4096x1xbf16> to vector<4096x128xbf16>
    %eq3A_76 = arith.cmpf oeq, %eq3A_75, %convert_element_type3A_57 : vector<4096x128xbf16>
    %jit3A_77 = arith.constant 1.000000e+00 : bf16
    %jit3A_78 = arith.constant 0.000000e+00 : bf16
    %broadcast_in_dim3A_79 = vector.broadcast %jit3A_77 : bf16 to vector<4096x128xbf16>
    %broadcast_in_dim3A_80 = vector.broadcast %jit3A_78 : bf16 to vector<4096x128xbf16>
    %select_n3A_81 = arith.select %eq3A_76, %broadcast_in_dim3A_79, %broadcast_in_dim3A_80 : vector<4096x128xi1>, vector<4096x128xbf16>
    %get3A_82 = arith.constant 0 : index
    %get3A_83 = arith.constant 0 : index
    %get3A_84 = vector.load %arg5[%get3A_82, %get3A_83] : memref<128x64xbf16, #tpu.memory_space<vmem>>, vector<128x64xbf16>
    %dot_general3A_85 = arith.constant dense<0.000000e+00> : vector<4096x64xf32>
    %dot_general3A_86 = tpu.matmul %add3A_73, %get3A_84, %dot_general3A_85 {dimension_numbers = #tpu.dot_dimension_numbers<[1], [0], [0], [1], [0, 0, 1, 1], [], []>, transpose_lhs_hint = false} : vector<4096x128xbf16>, vector<128x64xbf16>, vector<4096x64xf32> -> vector<4096x64xf32>
    %get3A_87 = arith.constant 0 : index
    %get3A_88 = arith.constant 0 : index
    %get3A_89 = vector.load %arg6[%get3A_87, %get3A_88] : memref<128x64xbf16, #tpu.memory_space<vmem>>, vector<128x64xbf16>
    %dot_general3A_90 = arith.constant dense<0.000000e+00> : vector<4096x64xf32>
    %dot_general3A_91 = tpu.matmul %select_n3A_81, %get3A_89, %dot_general3A_90 {dimension_numbers = #tpu.dot_dimension_numbers<[1], [0], [0], [1], [0, 0, 1, 1], [], []>, transpose_lhs_hint = false} : vector<4096x128xbf16>, vector<128x64xbf16>, vector<4096x64xf32> -> vector<4096x64xf32>
    %slice3A_92 = vector.extract_strided_slice %get3A_1 {offsets = [0, 0], sizes = [4096, 5], strides = [1, 1]} : vector<4096x7xf32> to vector<4096x5xf32>
    %get3A_93 = arith.constant 0 : index
    %get3A_94 = arith.constant 0 : index
    %get3A_95 = vector.load %arg7[%get3A_93, %get3A_94] : memref<5x128xf32, #tpu.memory_space<vmem>>, vector<5x128xf32>
    %dot_general3A_96 = arith.constant dense<0.000000e+00> : vector<4096x128xf32>
    %dot_general3A_97 = tpu.matmul %slice3A_92, %get3A_95, %dot_general3A_96 {dimension_numbers = #tpu.dot_dimension_numbers<[1], [0], [0], [1], [0, 0, 1, 1], [], []>, transpose_lhs_hint = false} : vector<4096x5xf32>, vector<5x128xf32>, vector<4096x128xf32> -> vector<4096x128xf32>
    %get3A_98 = arith.constant 0 : index
    %get3A_99 = arith.constant 0 : index
    %get3A_100 = vector.load %arg8[%get3A_98, %get3A_99] : memref<1x128xf32, #tpu.memory_space<vmem>>, vector<1x128xf32>
    %add3A_101 = vector.broadcast %get3A_100 : vector<1x128xf32> to vector<4096x128xf32>
    %add3A_102 = arith.addf %dot_general3A_97, %add3A_101 : vector<4096x128xf32>
    %max3A = arith.constant 0.000000e+00 : f32
    %max3A_103 = vector.broadcast %max3A : f32 to vector<4096x128xf32>
    %max3A_104 = arith.maximumf %add3A_102, %max3A_103 : vector<4096x128xf32>
    %get3A_105 = arith.constant 0 : index
    %get3A_106 = arith.constant 0 : index
    %get3A_107 = vector.load %arg9[%get3A_105, %get3A_106] : memref<128x64xf32, #tpu.memory_space<vmem>>, vector<128x64xf32>
    %dot_general3A_108 = arith.constant dense<0.000000e+00> : vector<4096x64xf32>
    %dot_general3A_109 = tpu.matmul %max3A_104, %get3A_107, %dot_general3A_108 {dimension_numbers = #tpu.dot_dimension_numbers<[1], [0], [0], [1], [0, 0, 1, 1], [], []>, transpose_lhs_hint = false} : vector<4096x128xf32>, vector<128x64xf32>, vector<4096x64xf32> -> vector<4096x64xf32>
    %get3A_110 = arith.constant 0 : index
    %get3A_111 = arith.constant 0 : index
    %get3A_112 = vector.load %arg10[%get3A_110, %get3A_111] : memref<1x64xf32, #tpu.memory_space<vmem>>, vector<1x64xf32>
    %add3A_113 = vector.broadcast %get3A_112 : vector<1x64xf32> to vector<4096x64xf32>
    %add3A_114 = arith.addf %dot_general3A_109, %add3A_113 : vector<4096x64xf32>
    %add3A_115 = arith.addf %select_n3A_54, %dot_general3A_86 : vector<4096x64xf32>
    %add3A_116 = arith.addf %add3A_115, %dot_general3A_91 : vector<4096x64xf32>
    %add3A_117 = arith.addf %add3A_116, %add3A_114 : vector<4096x64xf32>
    %swap3A = arith.constant 0 : index
    %swap3A_118 = arith.constant 0 : index
    %swap3A_119 = vector.load %arg11[%swap3A, %swap3A_118] : memref<4096x64xf32, #tpu.memory_space<vmem>>, vector<4096x64xf32>
    tpu.vector_store %arg11[%swap3A, %swap3A_118], %add3A_117 {strides = array<i32>} : memref<4096x64xf32, #tpu.memory_space<vmem>>, vector<4096x64xf32>,
    return
  }
  func.func @transform_0(%arg0: i32) -> (i32, i32) {
    %c0_i32 = arith.constant 0 : i32
    %c0_i32_0 = arith.constant 0 : i32
    return %arg0, %c0_i32 : i32, i32
  }
  func.func @transform_1(%arg0: i32) -> (i32, i32) {
    %c0_i32 = arith.constant 0 : i32
    %c0_i32_0 = arith.constant 0 : i32
    return %arg0, %c0_i32 : i32, i32
  }
  func.func @transform_2(%arg0: i32) -> (i32, i32) {
    %jit3A = arith.constant 1 : i32
    %eq3A = arith.constant 0 : i32
    %eq3A_0 = arith.cmpi eq, %jit3A, %eq3A : i32
    %jit3A_1 = arith.constant 1 : i32
    %select_n3A = arith.select %eq3A_0, %jit3A_1, %jit3A : i32
    %rem3A = arith.remsi %arg0, %select_n3A : i32
    %ne3A = arith.constant 0 : i32
    %ne3A_2 = arith.cmpi ne, %rem3A, %ne3A : i32
    %lt3A = arith.constant 0 : i32
    %lt3A_3 = arith.cmpi slt, %rem3A, %lt3A : i32
    %lt3A_4 = arith.constant 0 : i32
    %lt3A_5 = arith.cmpi slt, %select_n3A, %lt3A_4 : i32
    %ne3A_6 = arith.xori %lt3A_3, %lt3A_5 : i1
    %and3A = arith.andi %ne3A_6, %ne3A_2 : i1
    %add3A = arith.addi %rem3A, %select_n3A : i32
    %select_n3A_7 = arith.select %and3A, %add3A, %rem3A : i32
    %c0_i32 = arith.constant 0 : i32
    %c0_i32_8 = arith.constant 0 : i32
    return %select_n3A_7, %c0_i32 : i32, i32
  }
  func.func @transform_3(%arg0: i32) -> (i32, i32) {
    %c0_i32 = arith.constant 0 : i32
    %c0_i32_0 = arith.constant 0 : i32
    %c0_i32_1 = arith.constant 0 : i32
    return %c0_i32, %c0_i32_0 : i32, i32
  }
  func.func @transform_4(%arg0: i32) -> (i32, i32) {
    %c0_i32 = arith.constant 0 : i32
    %c0_i32_0 = arith.constant 0 : i32
    %c0_i32_1 = arith.constant 0 : i32
    return %c0_i32, %c0_i32_0 : i32, i32
  }
  func.func @transform_5(%arg0: i32) -> (i32, i32) {
    %c0_i32 = arith.constant 0 : i32
    %c0_i32_0 = arith.constant 0 : i32
    %c0_i32_1 = arith.constant 0 : i32
    return %c0_i32, %c0_i32_0 : i32, i32
  }
  func.func @transform_6(%arg0: i32) -> (i32, i32) {
    %c0_i32 = arith.constant 0 : i32
    %c0_i32_0 = arith.constant 0 : i32
    %c0_i32_1 = arith.constant 0 : i32
    return %c0_i32, %c0_i32_0 : i32, i32
  }
  func.func @transform_7(%arg0: i32) -> (i32, i32) {
    %c0_i32 = arith.constant 0 : i32
    %c0_i32_0 = arith.constant 0 : i32
    %c0_i32_1 = arith.constant 0 : i32
    return %c0_i32, %c0_i32_0 : i32, i32
  }
  func.func @transform_8(%arg0: i32) -> (i32, i32) {
    %c0_i32 = arith.constant 0 : i32
    %c0_i32_0 = arith.constant 0 : i32
    %c0_i32_1 = arith.constant 0 : i32
    return %c0_i32, %c0_i32_0 : i32, i32
  }
  func.func @transform_9(%arg0: i32) -> (i32, i32) {
    %c0_i32 = arith.constant 0 : i32
    %c0_i32_0 = arith.constant 0 : i32
    %c0_i32_1 = arith.constant 0 : i32
    return %c0_i32, %c0_i32_0 : i32, i32
  }
  func.func @transform_10(%arg0: i32) -> (i32, i32) {
    %c0_i32 = arith.constant 0 : i32
    %c0_i32_0 = arith.constant 0 : i32
    return %arg0, %c0_i32 : i32, i32
  }
}

</mosaic_0001>

<sc_bundles>
// kernel: sparse-core-data-format-call.cloned.1.call-start
scs
called_computation_lowered:
.L_overlay_start_0:
0x0: {  	s2 =	sld [smem:$0x3FD9]  }
0x1: {  	s3 =	sld [smem:$0x3FFE];
	_ =	sdelay $0x1  }
0x2: {  	s1 =	srdreg.scid  }
0x3: {  	s0 =	sand.u32 $0x1, s1  }
0x4: {  	s15 =	sshll.u32 s0, $0xA;
	s2 =	sadd.s32 s3, s2  }
0x5: {  	s2 =	sadd.s32 s2, s15  }
0x6: {  	[smem:$0x3FB2] =	sst s2  }
0x7: {  	_ = 	snop  }
0x8: {  	s2 =	sld [smem:$0x3FD0];
	_ =	sdelay $0x2  }
0x9: {  	s16 =	simm.s32 $0xA;
	s4 =	simm.s32 $0x10  }
0xa: {  	[smem:s4], [sflag:s16] =	dma.local [hbm:s2], $0x1  }
0xb: {  	_ =	swait.eq [sflag:s16], $0x1  }
0xc: {  	[sflag:s16] =	ssyncset.done $0x0  }
0xd: {  	[sflag:s16] =	ssyncadd.s32 $0xFFFFFFFF  }
0xe: {  	s17 =	sld [smem:$0x10];
	(tm) =	ssettm $0x1  }
0xf: {  	s18 =	sld [smem:$0x3FFB];
	_ =	sdelay $0x3  }
0x10: {  	_ =	strace s18  }
0x11: {  	s3 =	sld [smem:$0x3FFC];
	_ =	sdelay $0x3  }
0x12: {  	_ =	strace s3  }
0x13: {  	s3 =	sld [smem:$0x3FFD];
	_ =	sdelay $0x3  }
0x14: {  	_ =	strace s3  }
0x15: {  	_ =	strace $0x8FFFFFFF  }
0x16: {  	s19 =	sld [smem:$0x3FDB];
	_ =	sdelay $0x1  }
0x17: {  	s20 =	simm.s32 $_scs_section_size  }
0x18: {  	s5 =	simm.s32 $_size__tile_overlayer_lowered;
	s6 =	simm.s32 $_tile_overlayer_lowered  }
0x19: {  	s23 =	simm.s32 $0x1BFF;
	s22 =	sshll.u32 s6, $0x1;
	s3 =	sadd.s32 s20, s19  }
0x1a: {  	s7 =	simm.s32 $0x0;
	s21 =	sshll.u32 s5, $0x1;
	s5 =	sadd.s32 s22, s3  }
0x1b: {  	[timem:s7], [sflag:s23] =	dma.local [hbm:s5], s21  }
0x1c: {  	_ =	swait.ge [sflag:s23], s21  }
0x1d: {  	s4 =	ssub.s32 $0x0, s21;
	[sflag:s23] =	ssyncset.done $0x0  }
0x1e: {  	[sflag:s23] =	ssyncadd.s32 s4;
	_ =	sdelay $0x1  }
0x1f: {  	s24 =	simm.s32 $0x1B8B  }
0x20: {  	_ =	swait.ge [sflag:s24], $0x1  }
0x21: {  	[sflag:s24] =	ssyncset.done $0x0  }
0x22: {  	s26 =	simm.s32 $0x1B8E;
	s25 =	sld [smem:$0x3FFE];
	[sflag:s24] =	ssyncadd.s32 $0xFFFFFFFF  }
0x23: {  	s27 =	simm.s32 $execute0_lowered;
	[smem:$0x3FD2] =	sst s26  }
0x24: {  	s5 =	sshll.u32 s27, $0x1;
	_ =	strace $0x80000046;
	[dreg:$0x1] =	wrdreg $0xFFFFFFFF  }
0x25: {  	s28 =	simm.s32 $_size_execute0_lowered;
	s3 =	sadd.s32 s3, s5;
	[dreg:$0x0] =	wrdreg $0x0  }
0x26: {  	s5 =	sshll.u32 s28, $0x1;
	[dreg:$0x2] =	wrdreg s3  }
0x27: {  	[dreg:$0x3] =	wrdreg s5  }
0x28: {  	[dreg:$0x4] =	wrdreg $0xC0  }
0x29: {  	_ =	task [dreg:s7], $0x5FFFF  }
0x2a: {  	[dreg:$0x1] =	wrdreg $0xFFFFFFFF  }
0x2b: {  	[dreg:$0x0] =	wrdreg $0x60  }
0x2c: {  	[dreg:$0x2] =	wrdreg s25  }
0x2d: {  	[dreg:$0x3] =	wrdreg s17  }
0x2e: {  	[dreg:$0x4] =	wrdreg $0x9  }
0x2f: {  	_ =	task.clear_ibuf [dreg:s7], $0x5FFFF;
	_ =	strace $0x90000046  }
0x30: {  	s29 =	simm.s32 $0x9;
	_ =	strace $0x80000048  }
0x31: {  	_ =	swait.ge [sflag:s29], $0x1  }
0x32: {  	[sflag:s29] =	ssyncadd.s32 $0xFFFFFFFF  }
0x33: {  	_ =	strace $0x90000048  }
0x34: {  	_ =	sfence  }
0x35: {  	s30 =	sld [smem:$0x0];
	_ =	sdelay $0x2  }
0x36: {  	s31 =	sshll.u32 s1, $0xD;
	s1 =	sshrl.u32 s1, $0x2  }
0x37: {  	s3 =	sand.u32 $0x4000, s31;
	s1 =	sadd.s32 s1, s30  }
0x38: {  	s0 =	sor.u32 s3, s0;
	s1 =	sshll.u32 s1, $0x11  }
0x39: {  	s0 =	sor.u32 s1, s0  }
0x3a: {  	s0 =	sadd.s32 $0x8F2B, s0  }
0x3b: {  	[sflag:s0] =	ssyncadd.remote.s32 $0x1  }
0x3c: {  	_ =	sfence.sel $0xFFFF  }
0x3d: {  	[dreg:$0x0] =	wrdreg $0xFFFFFFFF;
	(pc) =	sbr.abs _section_cstart, $3  }
0x3e: {  	[dreg:$0x1] =	wrdreg $0xFFFFFFFF  }
0x3f: {  	_ =	task.clear_ibuf [dreg:s7], $0x2FFFF;
	_ =	strace $0x9FFFFFFF  }
0x40: {  	(tm) =	ssettm $0x7FFFFFFF  }
0x41: {  	_ =	shalt  }
tec
execute0_lowered:
.L_overlay_start_1:
0x0: {  	(tag) =	ssettag $0x1  }
0x1: {  	s0 =	srdreg.scid  }
0x2: {  	s7 =	rddreg [dreg:$0x0];
	s1 =	sshll.u32 s0, $0x4  }
0x3: {  	s3 =	rddreg [dreg:$0x1];
	s0 =	stileid.u32;
	s1 =	sand.u32 $0x10, s1  }
0x4: {  	s6 =	simm.s32 $0x1;
	s31 =	simm.s32 $0x2;
	s1 =	sor.u32 s0, s1  }
0x5: {  	s13 =	simm.s32 $0x0;
	s9 =	simm.s32 $0x8000;
	s2 =	sshll.u32 s1, $0x1  }
0x6: {  	s14 =	simm.s32 $0x0;
	s10 =	simm.s32 $0x0;
	s4 =	ssub.s32 $0x40, s2  }
0x7: {  	s12 =	simm.s32 $0x0;
	s1 =	rddreg [dreg:$0x2];
	s5 =	sand.u32 $0x3E, s4  }
.Ltmp0:
0x8: {  	_ =	strace $0x80000047;
	p0 =	sne.s32 s5, $0x0;
	(pc) =	sbr.rel .LBB1_1-.Ltmp0, $4  }
0x9: {  	s11 =	smov.u32 s2;
	s8 =	sshrl.u32 s4, $0x6;
	s6 =	simm.s32 @!p0 $0x0  }
0xa: {  	s4 =	sadd.s32 $0x802E00, s7;
	s5 =	simm.s32 $0x1;
	s6 =	sadd.s32 s6, s8  }
0xb: {  	s7 =	sadd.s32 $0x812E00, s7;
	[sflag:s5] =	ssyncpa.u1 $0x0;
	s6 =	sshll.u32 s6, $0x5  }
0xc: {  	p0 =	por $0x0, $0x0;
	[sflag:s31] =	ssyncpa.u1 $0x0;
	s8 =	sor.u32 $0x1, s6  }
.LBB1_7:
0xd: {  	s15 =	sadd.s32 $0x80, s10  }
0xe: {  	s13 =	sadd.s32 $0x40, s11;
	s17 =	smov.u32 s11;
	p2 =	sgt.s32 s15, $0xFFF  }
0xf: {  	s17 =	smov.u32 @p2 s13  }
0x10: {  	s15 =	simm.s32 @p2 $0x0;
	p2 =	sgt.s32 s17, $0x3F  }
0x11: {  	s17 =	smov.u32 @p2 s2;
	p2 =	sne.s32 s12, s8  }
.Ltmp1:
0x12: {  	p1 =	slt.u32 s12, $0x2;
	(pc) =	sbr.rel @!p2 .LBB1_8-.Ltmp1, $4  }
0x13: {  	s16 =	simm.s32 @!p1 $0x2  }
0x14: {  	s14 =	smov.u32 s11;
	p0 =	por !p0, !p0;
	_ =	swait.ge @!p1 [sflag:s16], $0x4000  }
0x15: {  	s13 =	smov.u32 s10;
	[sflag:s16] =	ssyncset.done @!p1 $0x0;
	s10 =	smov.u32 s15  }
0x16: {  	s12 =	sadd.s32 $0x1, s12;
	[sflag:s16] =	ssyncadd.s32 @!p1 $0xFFFFC000;
	s11 =	smov.u32 s17  }
.LBB1_1:
0x17: {  	p1 =	sge.u32 s12, s6  }
0x18: {  	s15 =	sxor.u32 @!p1 $0xFFFFFFFF, s12;
	s16 =	sshll.u32 @!p1 s11, $0x10  }
0x19: {  	s17 =	sshll.u32 @!p1 s10, $0x4;
	s19 =	simm.s32 @!p1 $0x40;
	s20 =	simm.s32 @!p1 $0x80  }
0x1a: {  	s15 =	sshll.u32 @!p1 s15, $0xE;
	s17 =	sand.u32 @!p1 $0xFFF0, s17;
	s18 =	sadd.s32 @!p1 s4, s16  }
0x1b: {  	s16 =	sadd.s32 @!p1 s16, s7;
	s15 =	sand.u32 @!p1 $0x4000, s15;
	s18 =	sadd.s32 @!p1 s17, s18  }
0x1c: {  	[tilespmem:s15], [sflag:$0x1] =	stream.strided.gather @!p1 [hbm4b:s18+s19], $0x2000, s20, s19, $0x38;
	[tilespmem:$0x10100] =	vst v63  }
0x1d: {  	s31 =	sadd.s32 $0xFFFFFFFF, s12;
	s16 =	sadd.s32 @!p1 s17, s16;
	s15 =	sor.u32 @!p1 $0x2000, s15  }
0x1e: {  	[tilespmem:s15], [sflag:$0x1] =	stream.strided.gather @!p1 [hbm4b:s16+s19], $0x2000, s20, s19, $0x38;
	[tilespmem:$0x10100] =	vst v63  }
0x1f: {  	p1 =	sge.u32 s31, s6  }
.Ltmp2:
0x20: {  	_ = 	snop;
	(pc) =	sbr.rel @p1 .LBB1_7-.Ltmp2, $1  }
0x21: {  	_ =	sdelay $0x3  }
0x22: {  	s15 =	simm.s32 $0x1;
	s17 =	sand.u32 $0x1, s12  }
0x23: {  	_ =	swait.ge [sflag:s5], $0x4000;
	s15 =	simm.s32 @!p0 $0x0;
	s17 =	smul.u32 $0x10200, s17  }
0x24: {  	p2 =	por $0x1, $0x1;
	[sflag:s5] =	ssyncset.done $0x0;
	s16 =	smul.u32 $0x10200, s15  }
0x25: {  	s18 =	sshll.u32 s15, $0x10;
	[sflag:s5] =	ssyncadd.s32 $0xFFFFC000;
	s30 =	sshrl.u32 s17, $0x2  }
0x26: {  	s31 =	sshrl.u32 s18, $0x2;
	s18 =	simm.s32 $0x0;
	s16 =	sshrl.u32 s16, $0x2  }
0x27: {  	s15 =	sor.u32 $0x8000, s30;
	s17 =	sadd.s32 $0x20, s31;
	s16 =	sor.u32 $0x8000, s16  }
.LBB1_3:
0x28: {  	s19 =	sshll.u32 s18, $0xD  }
0x29: {  	s19 =	sand.u32 $0x3FFFE000, s19  }
0x2a: {  	s21 =	sadd.s32 s19, s17  }
0x2b: {  	s31 =	smul.u32 $0x8100, s18;
	v3 =	vld [tilespmem:s21+$0x10]  }
0x2c: {  	v1 =	vld [tilespmem:s21+$0xFFFFFFF0]  }
0x2d: {  	s18 =	sshra.s32 s31, $0x2;
	v0 =	vld [tilespmem:s21+$0x0]  }
0x2e: {  	s18 =	sadd.s32 s18, s16;
	v2 =	vld [tilespmem:s21+$0xFFFFFFE0]  }
0x2f: {  	s19 =	sadd.s32 $0x0, s18  }
0x30: {  	p1 =	por p2, p2;
	s20 =	simm.s32 $0x4;
	s21 =	sadd.s32 $0x40, s21;
	[tilespmem:s19+$0x1830 ss:$0x81] =	vst.msk $0xffff, v3  }
.LBB1_4:
0x31: {  	v3 =	vld [tilespmem:s21+$0x10];
	p2 =	sne.s32 s20, $0x1FC;
	[tilespmem:s19+$0x810 ss:$0x81] =	vst.msk $0xffff, v1;
	s22 =	smov.u32 s20;
	s20 =	sadd.s32 $0x4, s20  }
.Ltmp3:
0x32: {  	v1 =	vld [tilespmem:s21+$0xFFFFFFF0];
	[tilespmem:s19+$0x1020 ss:$0x81] =	vst.msk $0xffff, v0;
	(pc) =	sbr.rel @p2 .LBB1_4-.Ltmp3, $4  }
0x33: {  	v0 =	vld [tilespmem:s21+$0x0];
	[tilespmem:s19+$0x0 ss:$0x81] =	vst.msk $0xffff, v2  }
0x34: {  	s19 =	sshra.s32 s22, $0x2;
	v2 =	vld [tilespmem:s21+$0xFFFFFFE0]  }
0x35: {  	s19 =	sadd.s32 s19, s18  }
0x36: {  	s21 =	sadd.s32 $0x40, s21;
	[tilespmem:s19+$0x1830 ss:$0x81] =	vst.msk $0xffff, v3  }
.Ltmp4:
0x37: {  	(pc) =	sbr.rel @p1 .LBB1_3-.Ltmp4, $4  }
0x38: {  	_ = 	snop  }
0x39: {  	[tilespmem:s19+$0x810 ss:$0x81] =	vst.msk $0xffff, v1  }
0x3a: {  	[tilespmem:s19+$0x1020 ss:$0x81] =	vst.msk $0xffff, v0  }
0x3b: {  	s18 =	simm.s32 $0x1;
	p2 =	por $0x0, $0x0;
	[tilespmem:s19+$0x0 ss:$0x81] =	vst.msk $0xffff, v2  }
0x3c: {  	s16 =	sshll.u32 s13, $0x3;
	s17 =	sand.u32 $0x78, s13;
	s14 =	sshll.u32 s14, $0xF  }
.Ltmp5:
0x3d: {  	s30 =	sand.u32 $0x7E00, s13;
	s16 =	sand.u32 $0xC00, s16;
	(pc) =	sbr.rel .LBB1_7-.Ltmp5, $4  }
0x3e: {  	s31 =	sand.u32 $0x7, s13;
	s14 =	sadd.s32 s3, s14;
	s16 =	sor.u32 s17, s16  }
0x3f: {  	s13 =	sshll.u32 s31, $0x12;
	s14 =	sadd.s32 s30, s14;
	s16 =	sshrl.u32 s16, $0x3  }
0x40: {  	s13 =	sor.u32 $0x400, s13;
	s14 =	sadd.s32 s16, s14  }
0x41: {  	[hbm4b:s14+s13] =	stream.strided.scatter [tilespmem:s15], [sflag:$0x2], $0x4000, s9, s13, $0x20;
	[tilespmem:$0x10100] =	vst v63  }
.LBB1_8:
0x42: {  	_ =	sfence.sel $0x180000  }
0x43: {  	s2 =	simm.s32 $0x1;
	[bflag:$0x0] =	sbarrier.arrive $0xFFFF  }
0x44: {  	s31 =	simm.s32 $0x2;
	[sflag:s2] =	ssyncpa.u1 $0x1  }
0x45: {  	[sflag:s31] =	ssyncpa.u1 $0x1  }
0x46: {  	p0 =	sne.s32 s0, $0x0;
	_ =	strace $0x90000047  }
0x47: {  	s0 =	sadd.s32 @!p0 $0x100000, s1;
	[bflag:$0x2] =	sbarrier.arrive $0xFFFF  }
0x48: {  	[sflag:s0] =	ssyncadd.tile.s32 @!p0 $0x1;
	_ =	shalt  }
.Lfunc_end1:
_tile_overlayer_lowered:
.L_overlay_start_2:
0x49: {  	(tag) =	ssettag $0x2  }
0x4a: {  	s0 =	rddreg [dreg:$0x0];
	s2 =	stileid.u32  }
0x4b: {  	s1 =	rddreg [dreg:$0x1];
	p0 =	sne.s32 s2, $0x0  }
0x4c: {  	s3 =	rddreg [dreg:$0x2];
	[bflag:$0x3] =	sbarrier.arrive $0xFFFF;
	s2 =	simm.s32 @!p0 $0x1C01  }
0x4d: {  	[timem:s3], [sflag:s2] =	dma.local @!p0 [hbm:s0], s1  }
0x4e: {  	s0 =	simm.s32 @!p0 $0x1  }
0x4f: {  	_ =	swait.ge @!p0 [sflag:s0], s1  }
0x50: {  	s1 =	ssub.s32 @!p0 $0x0, s1;
	[sflag:s0] =	ssyncset.done @!p0 $0x0  }
0x51: {  	[sflag:s0] =	ssyncadd.s32 @!p0 s1  }
0x52: {  	[bflag:$0x3] =	sbarrier.arrive $0xFFFF  }
0x53: {  	_ =	shalt  }

</sc_bundles>
